<compile_context>
chip_gen: v7x
topology: tpu7x:2x2x1
jax: 0.10.2.dev20260603
libtpu: 0.0.44.dev20260713+nightly
codegen_flags: <defaults>
</compile_context>

<pallas_src>
import jax
import jax.numpy as jnp
from jax.experimental import pallas as pl

SD, AD, TRAJ, BR = 256, 64, 1024, 32


def _copy_body(x_ref, o_ref):
    o_ref[...] = x_ref[...]


def kernel(s_t, W_policy, W_evolve, W_act, w_val, noise0, noise):
    s0 = s_t.reshape(1, SD)
    diff0 = s_t[0] - s_t[1]
    pol0 = jnp.tanh(s0 @ W_policy)
    sE = s0 @ W_evolve

    cact0 = pol0 + 0.1 * noise0
    cns0 = jnp.tanh(sE + cact0 @ W_act)
    v0 = (cns0[:, 0] - cns0[:, 1] - diff0) + cns0 @ w_val
    _, idx0 = jax.lax.top_k(v0, TRAJ)
    S = cns0[idx0]
    chain = [idx0]
    j3 = jnp.int32(0)
    for i in range(1, 4):
        P = jnp.tanh(S @ W_policy)
        E = S @ W_evolve
        cact = jnp.repeat(P, BR, axis=0) + 0.1 * noise[i - 1]
        cns = jnp.tanh(jnp.repeat(E, BR, axis=0) + cact @ W_act)
        v = (cns[:, 0] - cns[:, 1] - diff0) + cns @ w_val
        if i < 3:
            _, idx = jax.lax.top_k(v, TRAJ)
            S = cns[idx]
            chain.append(idx)
        else:
            j3 = jnp.argmax(v)

    t2 = j3 // BR
    j2 = chain[2][t2]
    t1 = j2 // BR
    j1 = chain[1][t1]
    t0 = j1 // BR
    a = chain[0][t0]
    out = pol0[0] + 0.1 * noise0[a]

    out = pl.pallas_call(
        _copy_body,
        out_shape=jax.ShapeDtypeStruct((AD,), jnp.float32),
    )(out)
    return out

# --- scband reference (transcript-rebuilt; emitter-appended) ---
"""Pipeline reference for scband-adaptive-evolver-46188078301890 (READ-ONLY COPY).

The authoritative reference and input builder live on the scoring server;
editing this copy changes nothing except your own understanding.
"""

import jax, jax.numpy as jnp
import numpy as np

STATE_DIM = 256
ACTION_DIM = 64
SEARCH_DEPTH = 4
TRAJ = 1024
BRANCH = 32
BLOOM = 64
HERO_HEALTH_INDEX = 0
ADVERSARY_HEALTH_INDEX = 1


def setup_inputs(seed: int = 0) -> dict:
    key = jax.random.key(seed)
    ks = jax.random.split(key, 8)
    s_t = jax.random.normal(ks[0], (STATE_DIM,), dtype=jnp.float32)
    W_policy = jax.random.normal(ks[1], (STATE_DIM, ACTION_DIM), dtype=jnp.float32) * 0.05
    W_evolve = jax.random.normal(ks[2], (STATE_DIM, STATE_DIM), dtype=jnp.float32) * 0.05
    W_act = jax.random.normal(ks[3], (ACTION_DIM, STATE_DIM), dtype=jnp.float32) * 0.05
    w_val = jax.random.normal(ks[4], (STATE_DIM,), dtype=jnp.float32) * 0.05
    noise0 = jax.random.normal(ks[5], (BLOOM * TRAJ, ACTION_DIM), dtype=jnp.float32)
    noise = jax.random.normal(ks[6], (SEARCH_DEPTH - 1, TRAJ * BRANCH, ACTION_DIM), dtype=jnp.float32)
    return {"s_t": s_t, "W_policy": W_policy, "W_evolve": W_evolve, "W_act": W_act, "w_val": w_val, "noise0": noise0, "noise": noise}


def _health_differential(s):
    return s[:, HERO_HEALTH_INDEX] - s[:, ADVERSARY_HEALTH_INDEX]


def _expand_search_tree(initial_state, states, noise_b, W_policy, W_evolve, W_act, w_val, depth):
    # branching factor: bloom_factor*trajectory_count at depth 0, branching_number after
    b = noise_b.shape[0] // states.shape[0]
    search_policies = jnp.tanh(states @ W_policy)  # hero policy (SEARCH_MODE)
    candidate_actions = jnp.repeat(search_policies, b, axis=0) + 0.1 * noise_b  # sample_actions
    states_rep = jnp.repeat(states, b, axis=0)
    candidate_next_states = jnp.tanh(states_rep @ W_evolve + candidate_actions @ W_act)  # evolver (hero + adversary step fused)
    v_accumulated = _health_differential(candidate_next_states) - _health_differential(initial_state)  # reward
    v_projected = candidate_next_states @ w_val  # value predictor
    candidate_values = v_accumulated + v_projected
    return candidate_next_states, candidate_actions, candidate_values


def reference(s_t, W_policy, W_evolve, W_act, w_val, noise0, noise):
    s0 = s_t.reshape(1, STATE_DIM)
    cns, cact, cval = _expand_search_tree(s0, s0, noise0, W_policy, W_evolve, W_act, w_val, 0)
    indices = jnp.argsort(-cval)[:TRAJ]  # argsort descending + top-k mask
    candidate_initial_actions = cact[indices]
    candidate_final_states = cns[indices]
    initial_action_idx = jnp.arange(TRAJ)
    best_trajectory_index = jnp.array(0, dtype=jnp.int32)
    for i in range(1, SEARCH_DEPTH):
        cns, _, cval = _expand_search_tree(s0, candidate_final_states, noise[i - 1], W_policy, W_evolve, W_act, w_val, i)
        indices = jnp.argsort(-cval)[:TRAJ]
        candidate_final_states = cns[indices]
        initial_action_idx = jnp.repeat(initial_action_idx, BRANCH)[indices]
        if i == SEARCH_DEPTH - 1:
            best_trajectory_index = jnp.argmax(cval[indices])
    best_initial_action_index = initial_action_idx[best_trajectory_index]
    return candidate_initial_actions[best_initial_action_index]

if __name__ == "__main__":
    import jax
    _d = setup_inputs()
    print(jax.jit(kernel)(*tuple(_d.values())))

</pallas_src>

<mosaic_0001>
module attributes {stable_mosaic.version = 14 : i64} {
  func.func @_copy_body(%arg0: memref<64xf32, #tpu.memory_space<vmem>>, %arg1: memref<64xf32, #tpu.memory_space<vmem>>) attributes {dimension_semantics = [], scalar_prefetch = 0 : i64, scratch_operands = 0 : i64, tpu.core_type = #tpu.core_type<tc>} {
    %get3A = arith.constant 0 : index
    %get3A_0 = vector.load %arg0[%get3A] : memref<64xf32, #tpu.memory_space<vmem>>, vector<64xf32>
    %swap3A = arith.constant 0 : index
    %swap3A_1 = vector.load %arg1[%swap3A] : memref<64xf32, #tpu.memory_space<vmem>>, vector<64xf32>
    tpu.vector_store %arg1[%swap3A], %get3A_0 {strides = array<i32>} : memref<64xf32, #tpu.memory_space<vmem>>, vector<64xf32>,
    return
  }
}

</mosaic_0001>

<sc_bundles>
// kernel: sparse-core-data-format-call.1.cloned.1.call-start
scs
called_computation.1_lowered:
.L_overlay_start_0:
0x0: {  	s1 =	sld [smem:$0x3FD9]  }
0x1: {  	s2 =	sld [smem:$0x3FFE];
	_ =	sdelay $0x1  }
0x2: {  	s3 =	srdreg.scid  }
0x3: {  	s0 =	sand.u32 $0x1, s3  }
0x4: {  	s17 =	sshll.u32 s0, $0xA;
	s1 =	sadd.s32 s2, s1  }
0x5: {  	s1 =	sadd.s32 s1, s17  }
0x6: {  	[smem:$0x3FC1] =	sst s1  }
0x7: {  	_ = 	snop  }
0x8: {  	(tm) =	ssettm $0x1  }
0x9: {  	s18 =	sld [smem:$0x3FFB];
	_ =	sdelay $0x3  }
0xa: {  	_ =	strace s18  }
0xb: {  	s1 =	sld [smem:$0x3FFC];
	_ =	sdelay $0x3  }
0xc: {  	_ =	strace s1  }
0xd: {  	s1 =	sld [smem:$0x3FFD];
	_ =	sdelay $0x3  }
0xe: {  	_ =	strace s1  }
0xf: {  	_ =	strace $0x8FFFFFFF  }
0x10: {  	s19 =	sld [smem:$0x3FDB];
	_ =	sdelay $0x1  }
0x11: {  	s20 =	simm.s32 $_scs_section_size  }
0x12: {  	s4 =	simm.s32 $_size__tile_overlayer_lowered;
	s5 =	simm.s32 $_tile_overlayer_lowered  }
0x13: {  	s23 =	simm.s32 $0x1BFF;
	s22 =	sshll.u32 s5, $0x1;
	s1 =	sadd.s32 s20, s19  }
0x14: {  	s6 =	simm.s32 $0x0;
	s21 =	sshll.u32 s4, $0x1;
	s4 =	sadd.s32 s22, s1  }
0x15: {  	[timem:s6], [sflag:s23] =	dma.local [hbm:s4], s21  }
0x16: {  	_ =	swait.ge [sflag:s23], s21  }
0x17: {  	s2 =	ssub.s32 $0x0, s21;
	[sflag:s23] =	ssyncset.done $0x0  }
0x18: {  	[sflag:s23] =	ssyncadd.s32 s2;
	_ =	sdelay $0x1  }
0x19: {  	s24 =	simm.s32 $0x1B8B  }
0x1a: {  	_ =	swait.ge [sflag:s24], $0x1  }
0x1b: {  	[sflag:s24] =	ssyncset.done $0x0  }
0x1c: {  	s26 =	simm.s32 $0x1B8E;
	s25 =	sld [smem:$0x3FFE];
	[sflag:s24] =	ssyncadd.s32 $0xFFFFFFFF  }
0x1d: {  	s27 =	simm.s32 $execute0_lowered;
	[smem:$0x3FD2] =	sst s26  }
0x1e: {  	s4 =	sshll.u32 s27, $0x1;
	_ =	strace $0x80000049;
	[dreg:$0x1] =	wrdreg $0xFFFFFFFF  }
0x1f: {  	s28 =	simm.s32 $_size_execute0_lowered;
	s1 =	sadd.s32 s1, s4;
	[dreg:$0x0] =	wrdreg $0x0  }
0x20: {  	s4 =	sshll.u32 s28, $0x1;
	[dreg:$0x2] =	wrdreg s1  }
0x21: {  	[dreg:$0x3] =	wrdreg s4  }
0x22: {  	[dreg:$0x4] =	wrdreg $0xC0  }
0x23: {  	_ =	task [dreg:s6], $0x5FFFF  }
0x24: {  	[dreg:$0x1] =	wrdreg $0xFFFFFFFF  }
0x25: {  	[dreg:$0x0] =	wrdreg $0x60  }
0x26: {  	[dreg:$0x2] =	wrdreg s25  }
0x27: {  	[dreg:$0x3] =	wrdreg $0x9  }
0x28: {  	_ =	task.clear_ibuf [dreg:s6], $0x4FFFF;
	_ =	strace $0x90000049  }
0x29: {  	s29 =	simm.s32 $0x9;
	_ =	strace $0x8000004B  }
0x2a: {  	_ =	swait.ge [sflag:s29], $0x1  }
0x2b: {  	[sflag:s29] =	ssyncadd.s32 $0xFFFFFFFF  }
0x2c: {  	_ =	strace $0x9000004B  }
0x2d: {  	_ =	sfence  }
0x2e: {  	s30 =	sld [smem:$0x0];
	_ =	sdelay $0x2  }
0x2f: {  	s31 =	sshll.u32 s3, $0xD;
	s3 =	sshrl.u32 s3, $0x2  }
0x30: {  	s2 =	sand.u32 $0x4000, s31;
	s1 =	sadd.s32 s3, s30  }
0x31: {  	s0 =	sor.u32 s2, s0;
	s1 =	sshll.u32 s1, $0x11  }
0x32: {  	s0 =	sor.u32 s1, s0  }
0x33: {  	s0 =	sadd.s32 $0x8F2B, s0  }
0x34: {  	[sflag:s0] =	ssyncadd.remote.s32 $0x1  }
0x35: {  	_ =	sfence.sel $0xFFFF  }
0x36: {  	[dreg:$0x0] =	wrdreg $0xFFFFFFFF;
	(pc) =	sbr.abs _section_cstart, $3  }
0x37: {  	[dreg:$0x1] =	wrdreg $0xFFFFFFFF  }
0x38: {  	_ =	task.clear_ibuf [dreg:s6], $0x2FFFF;
	_ =	strace $0x9FFFFFFF  }
0x39: {  	(tm) =	ssettm $0x7FFFFFFF  }
tec
execute0_lowered:
.L_overlay_start_1:
0x0: {  	(tag) =	ssettag $0x1  }
0x1: {  	s0 =	srdreg.scid;
	s4 =	rddreg [dreg:$0x0]  }
0x2: {  	s7 =	simm.s32 $0x1;
	s8 =	simm.s32 $0x2;
	s1 =	sshll.u32 s0, $0x4  }
0x3: {  	s13 =	simm.s32 $0x0;
	s0 =	stileid.u32;
	s1 =	sand.u32 $0x10, s1  }
0x4: {  	s12 =	simm.s32 $0x0;
	s9 =	simm.s32 $0x0;
	s1 =	sor.u32 s0, s1  }
0x5: {  	s11 =	simm.s32 $0x0;
	s3 =	sadd.s32 $0x200, s4;
	s2 =	sshll.u32 s1, $0x7  }
0x6: {  	s4 =	sadd.s32 $0x100200, s4;
	s1 =	rddreg [dreg:$0x1];
	s6 =	ssub.s32 $0x8000, s2  }
.Ltmp0:
0x7: {  	_ =	strace $0x8000004A;
	s5 =	sand.u32 $0xF80, s6;
	(pc) =	sbr.rel .LBB1_1-.Ltmp0, $4  }
0x8: {  	s10 =	smov.u32 s2;
	p0 =	sne.s32 s5, $0x0;
	s5 =	simm.s32 $0x1  }
0x9: {  	s6 =	sshrl.u32 s6, $0xC;
	s7 =	simm.s32 @!p0 $0x0;
	[sflag:s5] =	ssyncpa.u1 $0x0  }
0xa: {  	p0 =	por $0x0, $0x0;
	s7 =	sadd.s32 s7, s6;
	[sflag:s8] =	ssyncpa.u1 $0x0  }
0xb: {  	s8 =	simm.s32 $0x40000;
	s6 =	sshll.u32 s7, $0x1;
	s7 =	sshllo.u32 s7, $0x1  }
.LBB1_4:
0xc: {  	v5 =	vld [tilespmem:s16+$0xFFFFFFD0]  }
0xd: {  	[tilespmem:s17+$0x2040 ss:$0x81] =	vst.msk $0xffff, v1;
	v58 =	vld [tilespmem:s16+$0xFFFFFFE0]  }
0xe: {  	[tilespmem:s17+$0x2850 ss:$0x81] =	vst.msk $0xffff, v2;
	v59 =	vld [tilespmem:s16+$0xFFFFFFF0]  }
0xf: {  	s18 =	sshra.s32 s18, $0x2;
	[tilespmem:s17+$0x3060 ss:$0x81] =	vst.msk $0xffff, v3;
	v60 =	vld [tilespmem:s16+$0x0]  }
0x10: {  	[tilespmem:s17+$0x0 ss:$0x81] =	vst.msk $0xffff, v0;
	v61 =	vld [tilespmem:s16+$0x10];
	s15 =	sadd.s32 s18, s15  }
0x11: {  	s26 =	sshll.u32 s13, $0xF;
	v62 =	vld [tilespmem:s16+$0x20];
	[tilespmem:s15+$0x3870 ss:$0x81] =	vst.msk $0xffff, v4  }
0x12: {  	s27 =	sand.u32 $0x78, s12;
	s19 =	sshll.u32 s12, $0x3;
	v63 =	vld [tilespmem:s16+$0xFFFFFFC0];
	s29 =	sshll.u32 s13, $0x7;
	[tilespmem:s15+$0x810 ss:$0x81] =	vst.msk $0xffff, v5  }
0x13: {  	s17 =	sand.u32 $0x7C0000, s26;
	s28 =	sand.u32 $0x7FFC00, s19;
	s19 =	sand.u32 $0x7C00, s19;
	[tilespmem:s15+$0x1020 ss:$0x81] =	vst.msk $0xffff, v58  }
0x14: {  	s13 =	sand.u32 $0x380, s29;
	s16 =	sadd.s32 s28, s17;
	s30 =	sor.u32 s27, s19;
	[tilespmem:s15+$0x1830 ss:$0x81] =	vst.msk $0xffff, v59  }
0x15: {  	s16 =	sand.u32 $0x7F8000, s16;
	s13 =	sor.u32 s13, s30;
	[tilespmem:s15+$0x2040 ss:$0x81] =	vst.msk $0xffff, v60  }
0x16: {  	s31 =	sand.u32 $0x7, s12;
	s13 =	sor.u32 s16, s13;
	[tilespmem:s15+$0x2850 ss:$0x81] =	vst.msk $0xffff, v61  }
0x17: {  	s12 =	sshll.u32 s31, $0x12;
	[tilespmem:s15+$0x3060 ss:$0x81] =	vst.msk $0xffff, v62;
	s13 =	sshrl.u32 s13, $0x3  }
0x18: {  	s12 =	sor.u32 $0x400, s12;
	[tilespmem:s15+$0x0 ss:$0x81] =	vst.msk $0xffff, v63;
	s13 =	sadd.s32 s4, s13  }
0x19: {  	[hbm4b:s13+s12] =	stream.strided.scatter [tilespmem:s14], [sflag:$0x2], $0x4000, s8, s12, $0x20;
	[tilespmem:$0x10100] =	vst v63  }
.LBB1_5:
0x1a: {  	s14 =	sadd.s32 $0x80, s9  }
0x1b: {  	s12 =	sadd.s32 $0x1000, s10;
	s16 =	smov.u32 s10;
	p2 =	sgt.s32 s14, $0xFF  }
0x1c: {  	s16 =	smov.u32 @p2 s12  }
0x1d: {  	s14 =	simm.s32 @p2 $0x0;
	p2 =	sgt.s32 s16, $0x7FFF  }
0x1e: {  	s16 =	smov.u32 @p2 s2;
	p2 =	sne.s32 s11, s7  }
.Ltmp1:
0x1f: {  	p1 =	slt.u32 s11, $0x2;
	(pc) =	sbr.rel @!p2 .LBB1_6-.Ltmp1, $4  }
0x20: {  	s15 =	simm.s32 @!p1 $0x2  }
0x21: {  	s13 =	smov.u32 s9;
	p0 =	por !p0, !p0;
	_ =	swait.ge @!p1 [sflag:s15], $0x4000  }
0x22: {  	s12 =	smov.u32 s10;
	[sflag:s15] =	ssyncset.done @!p1 $0x0;
	s9 =	smov.u32 s14  }
0x23: {  	s11 =	sadd.s32 $0x1, s11;
	[sflag:s15] =	ssyncadd.s32 @!p1 $0xFFFFC000;
	s10 =	smov.u32 s16  }
.LBB1_1:
0x24: {  	p1 =	sge.u32 s11, s6  }
0x25: {  	s31 =	sadd.s32 $0xFFFFFFFF, s11;
	s14 =	sshll.u32 @!p1 s10, $0x8  }
0x26: {  	s15 =	sshll.u32 @!p1 s9, $0x3;
	s16 =	sshll.u32 @!p1 s10, $0x7;
	s14 =	sand.u32 @!p1 $0x7FF800, s14  }
0x27: {  	s17 =	sand.u32 @!p1 $0x78, s9;
	s14 =	sadd.s32 @!p1 s14, s15;
	s15 =	sand.u32 @!p1 $0x380, s16  }
0x28: {  	s16 =	sxor.u32 @!p1 $0xFFFFFFFF, s11;
	s14 =	sand.u32 @!p1 $0x7FFC00, s14;
	s15 =	sor.u32 @!p1 s15, s17  }
0x29: {  	s16 =	sshll.u32 @!p1 s16, $0xE;
	s14 =	sor.u32 @!p1 s14, s15;
	s15 =	sand.u32 @!p1 $0x7, s9  }
0x2a: {  	s17 =	simm.s32 @!p1 $0x800;
	s14 =	sshrl.u32 @!p1 s14, $0x3;
	s15 =	sshll.u32 @!p1 s15, $0x12  }
0x2b: {  	s16 =	sand.u32 @!p1 $0x4000, s16;
	s14 =	sadd.s32 @!p1 s3, s14;
	s15 =	sor.u32 @!p1 $0x400, s15  }
0x2c: {  	[tilespmem:s16], [sflag:$0x1] =	stream.strided.gather @!p1 [hbm4b:s14+s15], $0x4000, s17, s15, $0x38;
	[tilespmem:$0x10100] =	vst v63  }
0x2d: {  	p1 =	sge.u32 s31, s6  }
.Ltmp2:
0x2e: {  	_ = 	snop;
	(pc) =	sbr.rel @p1 .LBB1_5-.Ltmp2, $1  }
0x2f: {  	_ =	sdelay $0x3  }
0x30: {  	s14 =	simm.s32 $0x1  }
0x31: {  	_ =	swait.ge [sflag:s5], $0x4000;
	s14 =	simm.s32 @!p0 $0x0  }
0x32: {  	[sflag:s5] =	ssyncset.done $0x0;
	s15 =	sshll.u32 s14, $0xE  }
0x33: {  	[sflag:s5] =	ssyncadd.s32 $0xFFFFC000;
	s16 =	sor.u32 $0x40, s15  }
0x34: {  	s14 =	smul.u32 $0x10200, s14;
	v0 =	vld [tilespmem:s16+$0x30]  }
0x35: {  	v3 =	vld [tilespmem:s16+$0xFFFFFFD0]  }
0x36: {  	s14 =	sshrl.u32 s14, $0x2;
	v4 =	vld [tilespmem:s16+$0xFFFFFFE0]  }
0x37: {  	v5 =	vld [tilespmem:s16+$0xFFFFFFF0];
	s15 =	sor.u32 $0x8000, s14  }
0x38: {  	s31 =	sand.u32 $0x1, s11;
	v1 =	vld [tilespmem:s16+$0x0];
	s17 =	sadd.s32 $0x0, s15  }
0x39: {  	v2 =	vld [tilespmem:s16+$0x10];
	s14 =	smul.u32 $0x10200, s31;
	[tilespmem:s17+$0x3870 ss:$0x81] =	vst.msk $0xffff, v0  }
0x3a: {  	[tilespmem:s17+$0x810 ss:$0x81] =	vst.msk $0xffff, v3;
	v3 =	vld [tilespmem:s16+$0x20]  }
0x3b: {  	s14 =	sshrl.u32 s14, $0x2;
	v0 =	vld [tilespmem:s16+$0xFFFFFFC0];
	[tilespmem:s17+$0x1020 ss:$0x81] =	vst.msk $0xffff, v4;
	s16 =	sadd.s32 $0x80, s16  }
0x3c: {  	s18 =	simm.s32 $0x4;
	s19 =	simm.s32 $0x8;
	s14 =	sor.u32 $0x8000, s14;
	[tilespmem:s17+$0x1830 ss:$0x81] =	vst.msk $0xffff, v5;
	v4 =	vld [tilespmem:s16+$0x30]  }
.LBB1_3:
0x3d: {  	p1 =	sne.s32 s19, $0x1FC;
	v5 =	vld [tilespmem:s16+$0xFFFFFFD0];
	[tilespmem:s17+$0x2040 ss:$0x81] =	vst.msk $0xffff, v1  }
0x3e: {  	v6 =	vld [tilespmem:s16+$0xFFFFFFE0];
	[tilespmem:s17+$0x2850 ss:$0x81] =	vst.msk $0xffff, v2  }
0x3f: {  	s20 =	sshra.s32 s18, $0x2;
	s18 =	smov.u32 s19;
	v7 =	vld [tilespmem:s16+$0xFFFFFFF0];
	[tilespmem:s17+$0x3060 ss:$0x81] =	vst.msk $0xffff, v3  }
.Ltmp3:
0x40: {  	v1 =	vld [tilespmem:s16+$0x0];
	[tilespmem:s17+$0x0 ss:$0x81] =	vst.msk $0xffff, v0;
	s17 =	sadd.s32 s20, s15;
	(pc) =	sbr.rel @p1 .LBB1_3-.Ltmp3, $4  }
0x41: {  	v2 =	vld [tilespmem:s16+$0x10];
	[tilespmem:s17+$0x3870 ss:$0x81] =	vst.msk $0xffff, v4  }
0x42: {  	[tilespmem:s17+$0x810 ss:$0x81] =	vst.msk $0xffff, v5;
	v3 =	vld [tilespmem:s16+$0x20]  }
0x43: {  	v0 =	vld [tilespmem:s16+$0xFFFFFFC0];
	[tilespmem:s17+$0x1020 ss:$0x81] =	vst.msk $0xffff, v6;
	s16 =	sadd.s32 $0x80, s16  }
0x44: {  	s19 =	sadd.s32 $0x4, s19;
	v4 =	vld [tilespmem:s16+$0x30];
	[tilespmem:s17+$0x1830 ss:$0x81] =	vst.msk $0xffff, v7  }
.Ltmp4:
0x45: {  	_ = 	snop;
	(pc) =	sbr.rel .LBB1_4-.Ltmp4, $1  }
0x46: {  	_ =	sdelay $0x3  }
.LBB1_6:
0x47: {  	_ =	sfence.sel $0x180000  }
0x48: {  	s2 =	simm.s32 $0x1;
	[bflag:$0x0] =	sbarrier.arrive $0xFFFF  }
0x49: {  	s31 =	simm.s32 $0x2;
	[sflag:s2] =	ssyncpa.u1 $0x1  }
0x4a: {  	[sflag:s31] =	ssyncpa.u1 $0x1  }
0x4b: {  	p0 =	sne.s32 s0, $0x0;
	_ =	strace $0x9000004A  }
0x4c: {  	s0 =	sadd.s32 @!p0 $0x100000, s1;
	[bflag:$0x2] =	sbarrier.arrive $0xFFFF  }
0x4d: {  	[sflag:s0] =	ssyncadd.tile.s32 @!p0 $0x1;
	_ =	shalt  }
.Lfunc_end1:
_tile_overlayer_lowered:
.L_overlay_start_2:
0x4e: {  	(tag) =	ssettag $0x2  }
0x4f: {  	s0 =	rddreg [dreg:$0x0];
	s2 =	stileid.u32  }
0x50: {  	s1 =	rddreg [dreg:$0x1];
	p0 =	sne.s32 s2, $0x0  }
0x51: {  	s3 =	rddreg [dreg:$0x2];
	[bflag:$0x3] =	sbarrier.arrive $0xFFFF;
	s2 =	simm.s32 @!p0 $0x1C01  }
0x52: {  	[timem:s3], [sflag:s2] =	dma.local @!p0 [hbm:s0], s1  }
0x53: {  	s0 =	simm.s32 @!p0 $0x1  }
0x54: {  	_ =	swait.ge @!p0 [sflag:s0], s1  }
0x55: {  	s1 =	ssub.s32 @!p0 $0x0, s1;
	[sflag:s0] =	ssyncset.done @!p0 $0x0  }
0x56: {  	[sflag:s0] =	ssyncadd.s32 @!p0 s1  }
0x57: {  	[bflag:$0x3] =	sbarrier.arrive $0xFFFF  }
0x58: {  	_ =	shalt  }

// kernel: sparse-core-data-format-call.2.cloned.1.call-start
scs
called_computation.2_lowered:
.L_overlay_start_0:
0x0: {  	s1 =	sld [smem:$0x3FD9]  }
0x1: {  	s2 =	sld [smem:$0x3FFE];
	_ =	sdelay $0x1  }
0x2: {  	s3 =	srdreg.scid  }
0x3: {  	s0 =	sand.u32 $0x1, s3  }
0x4: {  	s17 =	sshll.u32 s0, $0xA;
	s1 =	sadd.s32 s2, s1  }
0x5: {  	s1 =	sadd.s32 s1, s17  }
0x6: {  	[smem:$0x3FC1] =	sst s1  }
0x7: {  	_ = 	snop  }
0x8: {  	(tm) =	ssettm $0x1  }
0x9: {  	s18 =	sld [smem:$0x3FFB];
	_ =	sdelay $0x3  }
0xa: {  	_ =	strace s18  }
0xb: {  	s1 =	sld [smem:$0x3FFC];
	_ =	sdelay $0x3  }
0xc: {  	_ =	strace s1  }
0xd: {  	s1 =	sld [smem:$0x3FFD];
	_ =	sdelay $0x3  }
0xe: {  	_ =	strace s1  }
0xf: {  	_ =	strace $0x8FFFFFFF  }
0x10: {  	s19 =	sld [smem:$0x3FDB];
	_ =	sdelay $0x1  }
0x11: {  	s20 =	simm.s32 $_scs_section_size  }
0x12: {  	s4 =	simm.s32 $_size__tile_overlayer_lowered;
	s5 =	simm.s32 $_tile_overlayer_lowered  }
0x13: {  	s23 =	simm.s32 $0x1BFF;
	s22 =	sshll.u32 s5, $0x1;
	s1 =	sadd.s32 s20, s19  }
0x14: {  	s6 =	simm.s32 $0x0;
	s21 =	sshll.u32 s4, $0x1;
	s4 =	sadd.s32 s22, s1  }
0x15: {  	[timem:s6], [sflag:s23] =	dma.local [hbm:s4], s21  }
0x16: {  	_ =	swait.ge [sflag:s23], s21  }
0x17: {  	s2 =	ssub.s32 $0x0, s21;
	[sflag:s23] =	ssyncset.done $0x0  }
0x18: {  	[sflag:s23] =	ssyncadd.s32 s2;
	_ =	sdelay $0x1  }
0x19: {  	s24 =	simm.s32 $0x1B8B  }
0x1a: {  	_ =	swait.ge [sflag:s24], $0x1  }
0x1b: {  	[sflag:s24] =	ssyncset.done $0x0  }
0x1c: {  	s26 =	simm.s32 $0x1B8E;
	s25 =	sld [smem:$0x3FFE];
	[sflag:s24] =	ssyncadd.s32 $0xFFFFFFFF  }
0x1d: {  	s27 =	simm.s32 $execute0_lowered;
	[smem:$0x3FD2] =	sst s26  }
0x1e: {  	s4 =	sshll.u32 s27, $0x1;
	_ =	strace $0x80000046;
	[dreg:$0x1] =	wrdreg $0xFFFFFFFF  }
0x1f: {  	s28 =	simm.s32 $_size_execute0_lowered;
	s1 =	sadd.s32 s1, s4;
	[dreg:$0x0] =	wrdreg $0x0  }
0x20: {  	s4 =	sshll.u32 s28, $0x1;
	[dreg:$0x2] =	wrdreg s1  }
0x21: {  	[dreg:$0x3] =	wrdreg s4  }
0x22: {  	[dreg:$0x4] =	wrdreg $0xC0  }
0x23: {  	_ =	task [dreg:s6], $0x5FFFF  }
0x24: {  	[dreg:$0x1] =	wrdreg $0xFFFFFFFF  }
0x25: {  	[dreg:$0x0] =	wrdreg $0x60  }
0x26: {  	[dreg:$0x2] =	wrdreg s25  }
0x27: {  	[dreg:$0x3] =	wrdreg $0x9  }
0x28: {  	_ =	task.clear_ibuf [dreg:s6], $0x4FFFF;
	_ =	strace $0x90000046  }
0x29: {  	s29 =	simm.s32 $0x9;
	_ =	strace $0x80000048  }
0x2a: {  	_ =	swait.ge [sflag:s29], $0x1  }
0x2b: {  	[sflag:s29] =	ssyncadd.s32 $0xFFFFFFFF  }
0x2c: {  	_ =	strace $0x90000048  }
0x2d: {  	_ =	sfence  }
0x2e: {  	s30 =	sld [smem:$0x0];
	_ =	sdelay $0x2  }
0x2f: {  	s31 =	sshll.u32 s3, $0xD;
	s3 =	sshrl.u32 s3, $0x2  }
0x30: {  	s2 =	sand.u32 $0x4000, s31;
	s1 =	sadd.s32 s3, s30  }
0x31: {  	s0 =	sor.u32 s2, s0;
	s1 =	sshll.u32 s1, $0x11  }
0x32: {  	s0 =	sor.u32 s1, s0  }
0x33: {  	s0 =	sadd.s32 $0x8F2B, s0  }
0x34: {  	[sflag:s0] =	ssyncadd.remote.s32 $0x1  }
0x35: {  	_ =	sfence.sel $0xFFFF  }
0x36: {  	[dreg:$0x0] =	wrdreg $0xFFFFFFFF;
	(pc) =	sbr.abs _section_cstart, $3  }
0x37: {  	[dreg:$0x1] =	wrdreg $0xFFFFFFFF  }
0x38: {  	_ =	task.clear_ibuf [dreg:s6], $0x2FFFF;
	_ =	strace $0x9FFFFFFF  }
0x39: {  	(tm) =	ssettm $0x7FFFFFFF  }
tec
execute0_lowered:
.L_overlay_start_1:
0x0: {  	(tag) =	ssettag $0x1  }
0x1: {  	s0 =	srdreg.scid;
	s4 =	rddreg [dreg:$0x0]  }
0x2: {  	s7 =	simm.s32 $0x1;
	s8 =	simm.s32 $0x2;
	s1 =	sshll.u32 s0, $0x4  }
0x3: {  	s13 =	simm.s32 $0x0;
	s0 =	stileid.u32;
	s1 =	sand.u32 $0x10, s1  }
0x4: {  	s12 =	simm.s32 $0x0;
	s9 =	simm.s32 $0x0;
	s1 =	sor.u32 s0, s1  }
0x5: {  	s11 =	simm.s32 $0x0;
	s3 =	sadd.s32 $0x200, s4;
	s2 =	sshll.u32 s1, $0x7  }
0x6: {  	s4 =	sadd.s32 $0x100200, s4;
	s1 =	rddreg [dreg:$0x1];
	s6 =	ssub.s32 $0x8000, s2  }
.Ltmp0:
0x7: {  	_ =	strace $0x80000047;
	s5 =	sand.u32 $0xF80, s6;
	(pc) =	sbr.rel .LBB1_1-.Ltmp0, $4  }
0x8: {  	s10 =	smov.u32 s2;
	p0 =	sne.s32 s5, $0x0;
	s5 =	simm.s32 $0x1  }
0x9: {  	s6 =	sshrl.u32 s6, $0xC;
	s7 =	simm.s32 @!p0 $0x0;
	[sflag:s5] =	ssyncpa.u1 $0x0  }
0xa: {  	p0 =	por $0x0, $0x0;
	s7 =	sadd.s32 s7, s6;
	[sflag:s8] =	ssyncpa.u1 $0x0  }
0xb: {  	s8 =	simm.s32 $0x40000;
	s6 =	sshll.u32 s7, $0x1;
	s7 =	sshllo.u32 s7, $0x1  }
.LBB1_4:
0xc: {  	v5 =	vld [tilespmem:s16+$0xFFFFFFD0]  }
0xd: {  	[tilespmem:s17+$0x2040 ss:$0x81] =	vst.msk $0xffff, v1;
	v58 =	vld [tilespmem:s16+$0xFFFFFFE0]  }
0xe: {  	[tilespmem:s17+$0x2850 ss:$0x81] =	vst.msk $0xffff, v2;
	v59 =	vld [tilespmem:s16+$0xFFFFFFF0]  }
0xf: {  	s18 =	sshra.s32 s18, $0x2;
	[tilespmem:s17+$0x3060 ss:$0x81] =	vst.msk $0xffff, v3;
	v60 =	vld [tilespmem:s16+$0x0]  }
0x10: {  	[tilespmem:s17+$0x0 ss:$0x81] =	vst.msk $0xffff, v0;
	v61 =	vld [tilespmem:s16+$0x10];
	s15 =	sadd.s32 s18, s15  }
0x11: {  	s26 =	sshll.u32 s13, $0xF;
	v62 =	vld [tilespmem:s16+$0x20];
	[tilespmem:s15+$0x3870 ss:$0x81] =	vst.msk $0xffff, v4  }
0x12: {  	s27 =	sand.u32 $0x78, s12;
	s19 =	sshll.u32 s12, $0x3;
	v63 =	vld [tilespmem:s16+$0xFFFFFFC0];
	s29 =	sshll.u32 s13, $0x7;
	[tilespmem:s15+$0x810 ss:$0x81] =	vst.msk $0xffff, v5  }
0x13: {  	s17 =	sand.u32 $0x7C0000, s26;
	s28 =	sand.u32 $0x7FFC00, s19;
	s19 =	sand.u32 $0x7C00, s19;
	[tilespmem:s15+$0x1020 ss:$0x81] =	vst.msk $0xffff, v58  }
0x14: {  	s13 =	sand.u32 $0x380, s29;
	s16 =	sadd.s32 s28, s17;
	s30 =	sor.u32 s27, s19;
	[tilespmem:s15+$0x1830 ss:$0x81] =	vst.msk $0xffff, v59  }
0x15: {  	s16 =	sand.u32 $0x7F8000, s16;
	s13 =	sor.u32 s13, s30;
	[tilespmem:s15+$0x2040 ss:$0x81] =	vst.msk $0xffff, v60  }
0x16: {  	s31 =	sand.u32 $0x7, s12;
	s13 =	sor.u32 s16, s13;
	[tilespmem:s15+$0x2850 ss:$0x81] =	vst.msk $0xffff, v61  }
0x17: {  	s12 =	sshll.u32 s31, $0x12;
	[tilespmem:s15+$0x3060 ss:$0x81] =	vst.msk $0xffff, v62;
	s13 =	sshrl.u32 s13, $0x3  }
0x18: {  	s12 =	sor.u32 $0x400, s12;
	[tilespmem:s15+$0x0 ss:$0x81] =	vst.msk $0xffff, v63;
	s13 =	sadd.s32 s4, s13  }
0x19: {  	[hbm4b:s13+s12] =	stream.strided.scatter [tilespmem:s14], [sflag:$0x2], $0x4000, s8, s12, $0x20;
	[tilespmem:$0x10100] =	vst v63  }
.LBB1_5:
0x1a: {  	s14 =	sadd.s32 $0x80, s9  }
0x1b: {  	s12 =	sadd.s32 $0x1000, s10;
	s16 =	smov.u32 s10;
	p2 =	sgt.s32 s14, $0xFF  }
0x1c: {  	s16 =	smov.u32 @p2 s12  }
0x1d: {  	s14 =	simm.s32 @p2 $0x0;
	p2 =	sgt.s32 s16, $0x7FFF  }
0x1e: {  	s16 =	smov.u32 @p2 s2;
	p2 =	sne.s32 s11, s7  }
.Ltmp1:
0x1f: {  	p1 =	slt.u32 s11, $0x2;
	(pc) =	sbr.rel @!p2 .LBB1_6-.Ltmp1, $4  }
0x20: {  	s15 =	simm.s32 @!p1 $0x2  }
0x21: {  	s13 =	smov.u32 s9;
	p0 =	por !p0, !p0;
	_ =	swait.ge @!p1 [sflag:s15], $0x4000  }
0x22: {  	s12 =	smov.u32 s10;
	[sflag:s15] =	ssyncset.done @!p1 $0x0;
	s9 =	smov.u32 s14  }
0x23: {  	s11 =	sadd.s32 $0x1, s11;
	[sflag:s15] =	ssyncadd.s32 @!p1 $0xFFFFC000;
	s10 =	smov.u32 s16  }
.LBB1_1:
0x24: {  	p1 =	sge.u32 s11, s6  }
0x25: {  	s31 =	sadd.s32 $0xFFFFFFFF, s11;
	s14 =	sshll.u32 @!p1 s10, $0x8  }
0x26: {  	s15 =	sshll.u32 @!p1 s9, $0x3;
	s16 =	sshll.u32 @!p1 s10, $0x7;
	s14 =	sand.u32 @!p1 $0x7FF800, s14  }
0x27: {  	s17 =	sand.u32 @!p1 $0x78, s9;
	s14 =	sadd.s32 @!p1 s14, s15;
	s15 =	sand.u32 @!p1 $0x380, s16  }
0x28: {  	s16 =	sxor.u32 @!p1 $0xFFFFFFFF, s11;
	s14 =	sand.u32 @!p1 $0x7FFC00, s14;
	s15 =	sor.u32 @!p1 s15, s17  }
0x29: {  	s16 =	sshll.u32 @!p1 s16, $0xE;
	s14 =	sor.u32 @!p1 s14, s15;
	s15 =	sand.u32 @!p1 $0x7, s9  }
0x2a: {  	s17 =	simm.s32 @!p1 $0x800;
	s14 =	sshrl.u32 @!p1 s14, $0x3;
	s15 =	sshll.u32 @!p1 s15, $0x12  }
0x2b: {  	s16 =	sand.u32 @!p1 $0x4000, s16;
	s14 =	sadd.s32 @!p1 s3, s14;
	s15 =	sor.u32 @!p1 $0x400, s15  }
0x2c: {  	[tilespmem:s16], [sflag:$0x1] =	stream.strided.gather @!p1 [hbm4b:s14+s15], $0x4000, s17, s15, $0x38;
	[tilespmem:$0x10100] =	vst v63  }
0x2d: {  	p1 =	sge.u32 s31, s6  }
.Ltmp2:
0x2e: {  	_ = 	snop;
	(pc) =	sbr.rel @p1 .LBB1_5-.Ltmp2, $1  }
0x2f: {  	_ =	sdelay $0x3  }
0x30: {  	s14 =	simm.s32 $0x1  }
0x31: {  	_ =	swait.ge [sflag:s5], $0x4000;
	s14 =	simm.s32 @!p0 $0x0  }
0x32: {  	[sflag:s5] =	ssyncset.done $0x0;
	s15 =	sshll.u32 s14, $0xE  }
0x33: {  	[sflag:s5] =	ssyncadd.s32 $0xFFFFC000;
	s16 =	sor.u32 $0x40, s15  }
0x34: {  	s14 =	smul.u32 $0x10200, s14;
	v0 =	vld [tilespmem:s16+$0x30]  }
0x35: {  	v3 =	vld [tilespmem:s16+$0xFFFFFFD0]  }
0x36: {  	s14 =	sshrl.u32 s14, $0x2;
	v4 =	vld [tilespmem:s16+$0xFFFFFFE0]  }
0x37: {  	v5 =	vld [tilespmem:s16+$0xFFFFFFF0];
	s15 =	sor.u32 $0x8000, s14  }
0x38: {  	s31 =	sand.u32 $0x1, s11;
	v1 =	vld [tilespmem:s16+$0x0];
	s17 =	sadd.s32 $0x0, s15  }
0x39: {  	v2 =	vld [tilespmem:s16+$0x10];
	s14 =	smul.u32 $0x10200, s31;
	[tilespmem:s17+$0x3870 ss:$0x81] =	vst.msk $0xffff, v0  }
0x3a: {  	[tilespmem:s17+$0x810 ss:$0x81] =	vst.msk $0xffff, v3;
	v3 =	vld [tilespmem:s16+$0x20]  }
0x3b: {  	s14 =	sshrl.u32 s14, $0x2;
	v0 =	vld [tilespmem:s16+$0xFFFFFFC0];
	[tilespmem:s17+$0x1020 ss:$0x81] =	vst.msk $0xffff, v4;
	s16 =	sadd.s32 $0x80, s16  }
0x3c: {  	s18 =	simm.s32 $0x4;
	s19 =	simm.s32 $0x8;
	s14 =	sor.u32 $0x8000, s14;
	[tilespmem:s17+$0x1830 ss:$0x81] =	vst.msk $0xffff, v5;
	v4 =	vld [tilespmem:s16+$0x30]  }
.LBB1_3:
0x3d: {  	p1 =	sne.s32 s19, $0x1FC;
	v5 =	vld [tilespmem:s16+$0xFFFFFFD0];
	[tilespmem:s17+$0x2040 ss:$0x81] =	vst.msk $0xffff, v1  }
0x3e: {  	v6 =	vld [tilespmem:s16+$0xFFFFFFE0];
	[tilespmem:s17+$0x2850 ss:$0x81] =	vst.msk $0xffff, v2  }
0x3f: {  	s20 =	sshra.s32 s18, $0x2;
	s18 =	smov.u32 s19;
	v7 =	vld [tilespmem:s16+$0xFFFFFFF0];
	[tilespmem:s17+$0x3060 ss:$0x81] =	vst.msk $0xffff, v3  }
.Ltmp3:
0x40: {  	v1 =	vld [tilespmem:s16+$0x0];
	[tilespmem:s17+$0x0 ss:$0x81] =	vst.msk $0xffff, v0;
	s17 =	sadd.s32 s20, s15;
	(pc) =	sbr.rel @p1 .LBB1_3-.Ltmp3, $4  }
0x41: {  	v2 =	vld [tilespmem:s16+$0x10];
	[tilespmem:s17+$0x3870 ss:$0x81] =	vst.msk $0xffff, v4  }
0x42: {  	[tilespmem:s17+$0x810 ss:$0x81] =	vst.msk $0xffff, v5;
	v3 =	vld [tilespmem:s16+$0x20]  }
0x43: {  	v0 =	vld [tilespmem:s16+$0xFFFFFFC0];
	[tilespmem:s17+$0x1020 ss:$0x81] =	vst.msk $0xffff, v6;
	s16 =	sadd.s32 $0x80, s16  }
0x44: {  	s19 =	sadd.s32 $0x4, s19;
	v4 =	vld [tilespmem:s16+$0x30];
	[tilespmem:s17+$0x1830 ss:$0x81] =	vst.msk $0xffff, v7  }
.Ltmp4:
0x45: {  	_ = 	snop;
	(pc) =	sbr.rel .LBB1_4-.Ltmp4, $1  }
0x46: {  	_ =	sdelay $0x3  }
.LBB1_6:
0x47: {  	_ =	sfence.sel $0x180000  }
0x48: {  	s2 =	simm.s32 $0x1;
	[bflag:$0x0] =	sbarrier.arrive $0xFFFF  }
0x49: {  	s31 =	simm.s32 $0x2;
	[sflag:s2] =	ssyncpa.u1 $0x1  }
0x4a: {  	[sflag:s31] =	ssyncpa.u1 $0x1  }
0x4b: {  	p0 =	sne.s32 s0, $0x0;
	_ =	strace $0x90000047  }
0x4c: {  	s0 =	sadd.s32 @!p0 $0x100000, s1;
	[bflag:$0x2] =	sbarrier.arrive $0xFFFF  }
0x4d: {  	[sflag:s0] =	ssyncadd.tile.s32 @!p0 $0x1;
	_ =	shalt  }
.Lfunc_end1:
_tile_overlayer_lowered:
.L_overlay_start_2:
0x4e: {  	(tag) =	ssettag $0x2  }
0x4f: {  	s0 =	rddreg [dreg:$0x0];
	s2 =	stileid.u32  }
0x50: {  	s1 =	rddreg [dreg:$0x1];
	p0 =	sne.s32 s2, $0x0  }
0x51: {  	s3 =	rddreg [dreg:$0x2];
	[bflag:$0x3] =	sbarrier.arrive $0xFFFF;
	s2 =	simm.s32 @!p0 $0x1C01  }
0x52: {  	[timem:s3], [sflag:s2] =	dma.local @!p0 [hbm:s0], s1  }
0x53: {  	s0 =	simm.s32 @!p0 $0x1  }
0x54: {  	_ =	swait.ge @!p0 [sflag:s0], s1  }
0x55: {  	s1 =	ssub.s32 @!p0 $0x0, s1;
	[sflag:s0] =	ssyncset.done @!p0 $0x0  }
0x56: {  	[sflag:s0] =	ssyncadd.s32 @!p0 s1  }
0x57: {  	[bflag:$0x3] =	sbarrier.arrive $0xFFFF  }
0x58: {  	_ =	shalt  }

// kernel: sparse-core-data-format-call.cloned.1.call-start
scs
called_computation_lowered:
.L_overlay_start_0:
0x0: {  	s1 =	sld [smem:$0x3FD9]  }
0x1: {  	s2 =	sld [smem:$0x3FFE];
	_ =	sdelay $0x1  }
0x2: {  	s3 =	srdreg.scid  }
0x3: {  	s0 =	sand.u32 $0x1, s3  }
0x4: {  	s17 =	sshll.u32 s0, $0xA;
	s1 =	sadd.s32 s2, s1  }
0x5: {  	s1 =	sadd.s32 s1, s17  }
0x6: {  	[smem:$0x3FC1] =	sst s1  }
0x7: {  	_ = 	snop  }
0x8: {  	(tm) =	ssettm $0x1  }
0x9: {  	s18 =	sld [smem:$0x3FFB];
	_ =	sdelay $0x3  }
0xa: {  	_ =	strace s18  }
0xb: {  	s1 =	sld [smem:$0x3FFC];
	_ =	sdelay $0x3  }
0xc: {  	_ =	strace s1  }
0xd: {  	s1 =	sld [smem:$0x3FFD];
	_ =	sdelay $0x3  }
0xe: {  	_ =	strace s1  }
0xf: {  	_ =	strace $0x8FFFFFFF  }
0x10: {  	s19 =	sld [smem:$0x3FDB];
	_ =	sdelay $0x1  }
0x11: {  	s20 =	simm.s32 $_scs_section_size  }
0x12: {  	s4 =	simm.s32 $_size__tile_overlayer_lowered;
	s5 =	simm.s32 $_tile_overlayer_lowered  }
0x13: {  	s23 =	simm.s32 $0x1BFF;
	s22 =	sshll.u32 s5, $0x1;
	s1 =	sadd.s32 s20, s19  }
0x14: {  	s6 =	simm.s32 $0x0;
	s21 =	sshll.u32 s4, $0x1;
	s4 =	sadd.s32 s22, s1  }
0x15: {  	[timem:s6], [sflag:s23] =	dma.local [hbm:s4], s21  }
0x16: {  	_ =	swait.ge [sflag:s23], s21  }
0x17: {  	s2 =	ssub.s32 $0x0, s21;
	[sflag:s23] =	ssyncset.done $0x0  }
0x18: {  	[sflag:s23] =	ssyncadd.s32 s2;
	_ =	sdelay $0x1  }
0x19: {  	s24 =	simm.s32 $0x1B8B  }
0x1a: {  	_ =	swait.ge [sflag:s24], $0x1  }
0x1b: {  	[sflag:s24] =	ssyncset.done $0x0  }
0x1c: {  	s26 =	simm.s32 $0x1B8E;
	s25 =	sld [smem:$0x3FFE];
	[sflag:s24] =	ssyncadd.s32 $0xFFFFFFFF  }
0x1d: {  	s27 =	simm.s32 $execute0_lowered;
	[smem:$0x3FD2] =	sst s26  }
0x1e: {  	s4 =	sshll.u32 s27, $0x1;
	_ =	strace $0x8000004C;
	[dreg:$0x1] =	wrdreg $0xFFFFFFFF  }
0x1f: {  	s28 =	simm.s32 $_size_execute0_lowered;
	s1 =	sadd.s32 s1, s4;
	[dreg:$0x0] =	wrdreg $0x0  }
0x20: {  	s4 =	sshll.u32 s28, $0x1;
	[dreg:$0x2] =	wrdreg s1  }
0x21: {  	[dreg:$0x3] =	wrdreg s4  }
0x22: {  	[dreg:$0x4] =	wrdreg $0xC0  }
0x23: {  	_ =	task [dreg:s6], $0x5FFFF  }
0x24: {  	[dreg:$0x1] =	wrdreg $0xFFFFFFFF  }
0x25: {  	[dreg:$0x0] =	wrdreg $0x60  }
0x26: {  	[dreg:$0x2] =	wrdreg s25  }
0x27: {  	[dreg:$0x3] =	wrdreg $0x9  }
0x28: {  	_ =	task.clear_ibuf [dreg:s6], $0x4FFFF;
	_ =	strace $0x9000004C  }
0x29: {  	s29 =	simm.s32 $0x9;
	_ =	strace $0x8000004E  }
0x2a: {  	_ =	swait.ge [sflag:s29], $0x1  }
0x2b: {  	[sflag:s29] =	ssyncadd.s32 $0xFFFFFFFF  }
0x2c: {  	_ =	strace $0x9000004E  }
0x2d: {  	_ =	sfence  }
0x2e: {  	s30 =	sld [smem:$0x0];
	_ =	sdelay $0x2  }
0x2f: {  	s31 =	sshll.u32 s3, $0xD;
	s3 =	sshrl.u32 s3, $0x2  }
0x30: {  	s2 =	sand.u32 $0x4000, s31;
	s1 =	sadd.s32 s3, s30  }
0x31: {  	s0 =	sor.u32 s2, s0;
	s1 =	sshll.u32 s1, $0x11  }
0x32: {  	s0 =	sor.u32 s1, s0  }
0x33: {  	s0 =	sadd.s32 $0x8F2B, s0  }
0x34: {  	[sflag:s0] =	ssyncadd.remote.s32 $0x1  }
0x35: {  	_ =	sfence.sel $0xFFFF  }
0x36: {  	[dreg:$0x0] =	wrdreg $0xFFFFFFFF;
	(pc) =	sbr.abs _section_cstart, $3  }
0x37: {  	[dreg:$0x1] =	wrdreg $0xFFFFFFFF  }
0x38: {  	_ =	task.clear_ibuf [dreg:s6], $0x2FFFF;
	_ =	strace $0x9FFFFFFF  }
0x39: {  	(tm) =	ssettm $0x7FFFFFFF  }
tec
execute0_lowered:
.L_overlay_start_1:
0x0: {  	(tag) =	ssettag $0x1  }
0x1: {  	s0 =	srdreg.scid;
	s4 =	rddreg [dreg:$0x0]  }
0x2: {  	s7 =	simm.s32 $0x1;
	s8 =	simm.s32 $0x2;
	s1 =	sshll.u32 s0, $0x4  }
0x3: {  	s13 =	simm.s32 $0x0;
	s0 =	stileid.u32;
	s1 =	sand.u32 $0x10, s1  }
0x4: {  	s12 =	simm.s32 $0x0;
	s9 =	simm.s32 $0x0;
	s1 =	sor.u32 s0, s1  }
0x5: {  	s11 =	simm.s32 $0x0;
	s3 =	sadd.s32 $0x200, s4;
	s2 =	sshll.u32 s1, $0x7  }
0x6: {  	s4 =	sadd.s32 $0x100200, s4;
	s1 =	rddreg [dreg:$0x1];
	s6 =	ssub.s32 $0x8000, s2  }
.Ltmp0:
0x7: {  	_ =	strace $0x8000004D;
	s5 =	sand.u32 $0xF80, s6;
	(pc) =	sbr.rel .LBB1_1-.Ltmp0, $4  }
0x8: {  	s10 =	smov.u32 s2;
	p0 =	sne.s32 s5, $0x0;
	s5 =	simm.s32 $0x1  }
0x9: {  	s6 =	sshrl.u32 s6, $0xC;
	s7 =	simm.s32 @!p0 $0x0;
	[sflag:s5] =	ssyncpa.u1 $0x0  }
0xa: {  	p0 =	por $0x0, $0x0;
	s7 =	sadd.s32 s7, s6;
	[sflag:s8] =	ssyncpa.u1 $0x0  }
0xb: {  	s8 =	simm.s32 $0x40000;
	s6 =	sshll.u32 s7, $0x1;
	s7 =	sshllo.u32 s7, $0x1  }
.LBB1_4:
0xc: {  	v5 =	vld [tilespmem:s16+$0xFFFFFFD0]  }
0xd: {  	[tilespmem:s17+$0x2040 ss:$0x81] =	vst.msk $0xffff, v1;
	v58 =	vld [tilespmem:s16+$0xFFFFFFE0]  }
0xe: {  	[tilespmem:s17+$0x2850 ss:$0x81] =	vst.msk $0xffff, v2;
	v59 =	vld [tilespmem:s16+$0xFFFFFFF0]  }
0xf: {  	s18 =	sshra.s32 s18, $0x2;
	[tilespmem:s17+$0x3060 ss:$0x81] =	vst.msk $0xffff, v3;
	v60 =	vld [tilespmem:s16+$0x0]  }
0x10: {  	[tilespmem:s17+$0x0 ss:$0x81] =	vst.msk $0xffff, v0;
	v61 =	vld [tilespmem:s16+$0x10];
	s15 =	sadd.s32 s18, s15  }
0x11: {  	s26 =	sshll.u32 s13, $0xF;
	v62 =	vld [tilespmem:s16+$0x20];
	[tilespmem:s15+$0x3870 ss:$0x81] =	vst.msk $0xffff, v4  }
0x12: {  	s27 =	sand.u32 $0x78, s12;
	s19 =	sshll.u32 s12, $0x3;
	v63 =	vld [tilespmem:s16+$0xFFFFFFC0];
	s29 =	sshll.u32 s13, $0x7;
	[tilespmem:s15+$0x810 ss:$0x81] =	vst.msk $0xffff, v5  }
0x13: {  	s17 =	sand.u32 $0x7C0000, s26;
	s28 =	sand.u32 $0x7FFC00, s19;
	s19 =	sand.u32 $0x7C00, s19;
	[tilespmem:s15+$0x1020 ss:$0x81] =	vst.msk $0xffff, v58  }
0x14: {  	s13 =	sand.u32 $0x380, s29;
	s16 =	sadd.s32 s28, s17;
	s30 =	sor.u32 s27, s19;
	[tilespmem:s15+$0x1830 ss:$0x81] =	vst.msk $0xffff, v59  }
0x15: {  	s16 =	sand.u32 $0x7F8000, s16;
	s13 =	sor.u32 s13, s30;
	[tilespmem:s15+$0x2040 ss:$0x81] =	vst.msk $0xffff, v60  }
0x16: {  	s31 =	sand.u32 $0x7, s12;
	s13 =	sor.u32 s16, s13;
	[tilespmem:s15+$0x2850 ss:$0x81] =	vst.msk $0xffff, v61  }
0x17: {  	s12 =	sshll.u32 s31, $0x12;
	[tilespmem:s15+$0x3060 ss:$0x81] =	vst.msk $0xffff, v62;
	s13 =	sshrl.u32 s13, $0x3  }
0x18: {  	s12 =	sor.u32 $0x400, s12;
	[tilespmem:s15+$0x0 ss:$0x81] =	vst.msk $0xffff, v63;
	s13 =	sadd.s32 s4, s13  }
0x19: {  	[hbm4b:s13+s12] =	stream.strided.scatter [tilespmem:s14], [sflag:$0x2], $0x4000, s8, s12, $0x20;
	[tilespmem:$0x10100] =	vst v63  }
.LBB1_5:
0x1a: {  	s14 =	sadd.s32 $0x80, s9  }
0x1b: {  	s12 =	sadd.s32 $0x1000, s10;
	s16 =	smov.u32 s10;
	p2 =	sgt.s32 s14, $0xFF  }
0x1c: {  	s16 =	smov.u32 @p2 s12  }
0x1d: {  	s14 =	simm.s32 @p2 $0x0;
	p2 =	sgt.s32 s16, $0x7FFF  }
0x1e: {  	s16 =	smov.u32 @p2 s2;
	p2 =	sne.s32 s11, s7  }
.Ltmp1:
0x1f: {  	p1 =	slt.u32 s11, $0x2;
	(pc) =	sbr.rel @!p2 .LBB1_6-.Ltmp1, $4  }
0x20: {  	s15 =	simm.s32 @!p1 $0x2  }
0x21: {  	s13 =	smov.u32 s9;
	p0 =	por !p0, !p0;
	_ =	swait.ge @!p1 [sflag:s15], $0x4000  }
0x22: {  	s12 =	smov.u32 s10;
	[sflag:s15] =	ssyncset.done @!p1 $0x0;
	s9 =	smov.u32 s14  }
0x23: {  	s11 =	sadd.s32 $0x1, s11;
	[sflag:s15] =	ssyncadd.s32 @!p1 $0xFFFFC000;
	s10 =	smov.u32 s16  }
.LBB1_1:
0x24: {  	p1 =	sge.u32 s11, s6  }
0x25: {  	s31 =	sadd.s32 $0xFFFFFFFF, s11;
	s14 =	sshll.u32 @!p1 s10, $0x8  }
0x26: {  	s15 =	sshll.u32 @!p1 s9, $0x3;
	s16 =	sshll.u32 @!p1 s10, $0x7;
	s14 =	sand.u32 @!p1 $0x7FF800, s14  }
0x27: {  	s17 =	sand.u32 @!p1 $0x78, s9;
	s14 =	sadd.s32 @!p1 s14, s15;
	s15 =	sand.u32 @!p1 $0x380, s16  }
0x28: {  	s16 =	sxor.u32 @!p1 $0xFFFFFFFF, s11;
	s14 =	sand.u32 @!p1 $0x7FFC00, s14;
	s15 =	sor.u32 @!p1 s15, s17  }
0x29: {  	s16 =	sshll.u32 @!p1 s16, $0xE;
	s14 =	sor.u32 @!p1 s14, s15;
	s15 =	sand.u32 @!p1 $0x7, s9  }
0x2a: {  	s17 =	simm.s32 @!p1 $0x800;
	s14 =	sshrl.u32 @!p1 s14, $0x3;
	s15 =	sshll.u32 @!p1 s15, $0x12  }
0x2b: {  	s16 =	sand.u32 @!p1 $0x4000, s16;
	s14 =	sadd.s32 @!p1 s3, s14;
	s15 =	sor.u32 @!p1 $0x400, s15  }
0x2c: {  	[tilespmem:s16], [sflag:$0x1] =	stream.strided.gather @!p1 [hbm4b:s14+s15], $0x4000, s17, s15, $0x38;
	[tilespmem:$0x10100] =	vst v63  }
0x2d: {  	p1 =	sge.u32 s31, s6  }
.Ltmp2:
0x2e: {  	_ = 	snop;
	(pc) =	sbr.rel @p1 .LBB1_5-.Ltmp2, $1  }
0x2f: {  	_ =	sdelay $0x3  }
0x30: {  	s14 =	simm.s32 $0x1  }
0x31: {  	_ =	swait.ge [sflag:s5], $0x4000;
	s14 =	simm.s32 @!p0 $0x0  }
0x32: {  	[sflag:s5] =	ssyncset.done $0x0;
	s15 =	sshll.u32 s14, $0xE  }
0x33: {  	[sflag:s5] =	ssyncadd.s32 $0xFFFFC000;
	s16 =	sor.u32 $0x40, s15  }
0x34: {  	s14 =	smul.u32 $0x10200, s14;
	v0 =	vld [tilespmem:s16+$0x30]  }
0x35: {  	v3 =	vld [tilespmem:s16+$0xFFFFFFD0]  }
0x36: {  	s14 =	sshrl.u32 s14, $0x2;
	v4 =	vld [tilespmem:s16+$0xFFFFFFE0]  }
0x37: {  	v5 =	vld [tilespmem:s16+$0xFFFFFFF0];
	s15 =	sor.u32 $0x8000, s14  }
0x38: {  	s31 =	sand.u32 $0x1, s11;
	v1 =	vld [tilespmem:s16+$0x0];
	s17 =	sadd.s32 $0x0, s15  }
0x39: {  	v2 =	vld [tilespmem:s16+$0x10];
	s14 =	smul.u32 $0x10200, s31;
	[tilespmem:s17+$0x3870 ss:$0x81] =	vst.msk $0xffff, v0  }
0x3a: {  	[tilespmem:s17+$0x810 ss:$0x81] =	vst.msk $0xffff, v3;
	v3 =	vld [tilespmem:s16+$0x20]  }
0x3b: {  	s14 =	sshrl.u32 s14, $0x2;
	v0 =	vld [tilespmem:s16+$0xFFFFFFC0];
	[tilespmem:s17+$0x1020 ss:$0x81] =	vst.msk $0xffff, v4;
	s16 =	sadd.s32 $0x80, s16  }
0x3c: {  	s18 =	simm.s32 $0x4;
	s19 =	simm.s32 $0x8;
	s14 =	sor.u32 $0x8000, s14;
	[tilespmem:s17+$0x1830 ss:$0x81] =	vst.msk $0xffff, v5;
	v4 =	vld [tilespmem:s16+$0x30]  }
.LBB1_3:
0x3d: {  	p1 =	sne.s32 s19, $0x1FC;
	v5 =	vld [tilespmem:s16+$0xFFFFFFD0];
	[tilespmem:s17+$0x2040 ss:$0x81] =	vst.msk $0xffff, v1  }
0x3e: {  	v6 =	vld [tilespmem:s16+$0xFFFFFFE0];
	[tilespmem:s17+$0x2850 ss:$0x81] =	vst.msk $0xffff, v2  }
0x3f: {  	s20 =	sshra.s32 s18, $0x2;
	s18 =	smov.u32 s19;
	v7 =	vld [tilespmem:s16+$0xFFFFFFF0];
	[tilespmem:s17+$0x3060 ss:$0x81] =	vst.msk $0xffff, v3  }
.Ltmp3:
0x40: {  	v1 =	vld [tilespmem:s16+$0x0];
	[tilespmem:s17+$0x0 ss:$0x81] =	vst.msk $0xffff, v0;
	s17 =	sadd.s32 s20, s15;
	(pc) =	sbr.rel @p1 .LBB1_3-.Ltmp3, $4  }
0x41: {  	v2 =	vld [tilespmem:s16+$0x10];
	[tilespmem:s17+$0x3870 ss:$0x81] =	vst.msk $0xffff, v4  }
0x42: {  	[tilespmem:s17+$0x810 ss:$0x81] =	vst.msk $0xffff, v5;
	v3 =	vld [tilespmem:s16+$0x20]  }
0x43: {  	v0 =	vld [tilespmem:s16+$0xFFFFFFC0];
	[tilespmem:s17+$0x1020 ss:$0x81] =	vst.msk $0xffff, v6;
	s16 =	sadd.s32 $0x80, s16  }
0x44: {  	s19 =	sadd.s32 $0x4, s19;
	v4 =	vld [tilespmem:s16+$0x30];
	[tilespmem:s17+$0x1830 ss:$0x81] =	vst.msk $0xffff, v7  }
.Ltmp4:
0x45: {  	_ = 	snop;
	(pc) =	sbr.rel .LBB1_4-.Ltmp4, $1  }
0x46: {  	_ =	sdelay $0x3  }
.LBB1_6:
0x47: {  	_ =	sfence.sel $0x180000  }
0x48: {  	s2 =	simm.s32 $0x1;
	[bflag:$0x0] =	sbarrier.arrive $0xFFFF  }
0x49: {  	s31 =	simm.s32 $0x2;
	[sflag:s2] =	ssyncpa.u1 $0x1  }
0x4a: {  	[sflag:s31] =	ssyncpa.u1 $0x1  }
0x4b: {  	p0 =	sne.s32 s0, $0x0;
	_ =	strace $0x9000004D  }
0x4c: {  	s0 =	sadd.s32 @!p0 $0x100000, s1;
	[bflag:$0x2] =	sbarrier.arrive $0xFFFF  }
0x4d: {  	[sflag:s0] =	ssyncadd.tile.s32 @!p0 $0x1;
	_ =	shalt  }
.Lfunc_end1:
_tile_overlayer_lowered:
.L_overlay_start_2:
0x4e: {  	(tag) =	ssettag $0x2  }
0x4f: {  	s0 =	rddreg [dreg:$0x0];
	s2 =	stileid.u32  }
0x50: {  	s1 =	rddreg [dreg:$0x1];
	p0 =	sne.s32 s2, $0x0  }
0x51: {  	s3 =	rddreg [dreg:$0x2];
	[bflag:$0x3] =	sbarrier.arrive $0xFFFF;
	s2 =	simm.s32 @!p0 $0x1C01  }
0x52: {  	[timem:s3], [sflag:s2] =	dma.local @!p0 [hbm:s0], s1  }
0x53: {  	s0 =	simm.s32 @!p0 $0x1  }
0x54: {  	_ =	swait.ge @!p0 [sflag:s0], s1  }
0x55: {  	s1 =	ssub.s32 @!p0 $0x0, s1;
	[sflag:s0] =	ssyncset.done @!p0 $0x0  }
0x56: {  	[sflag:s0] =	ssyncadd.s32 @!p0 s1  }
0x57: {  	[bflag:$0x3] =	sbarrier.arrive $0xFFFF  }
0x58: {  	_ =	shalt  }

</sc_bundles>
